<compile_context>
chip_gen: v7x
topology: tpu7x:2x2x1
jax: 0.10.2.dev20260603
libtpu: 0.0.44.dev20260713+nightly
codegen_flags: <defaults>
</compile_context>

<pallas_src>
import jax
import jax.numpy as jnp
from jax.experimental import pallas as pl
from jax.experimental.pallas import tpu as pltpu

B = 256
IN = 256
H = 256
NW = 32
NS = 33
ROWS = NW * NS

_DN = (((1,), (1,)), ((), ()))


def _compute_body(char_ref, wir_ref, bir_ref, bhr_ref, wil_ref, bil_ref,
                  bhl_ref, wc_ref, bc_ref, sub_ref, h_ref, c_ref):
    x = char_ref[...]
    gr = jax.lax.dot_general(x, wir_ref[...], _DN,
                             preferred_element_type=jnp.float32)
    gr = gr + bir_ref[...] + bhr_ref[...]
    i_r = jax.nn.sigmoid(gr[:, 0:H])
    g_r = jnp.tanh(gr[:, 2 * H:3 * H])
    o_r = jax.nn.sigmoid(gr[:, 3 * H:4 * H])
    c2 = i_r * g_r
    h2 = o_r * jnp.tanh(c2)

    gl = jax.lax.dot_general(x, wil_ref[...], _DN,
                             preferred_element_type=jnp.float32)
    gl = gl + bil_ref[...] + bhl_ref[...]
    i_l = jax.nn.sigmoid(gl[:, 0:H])
    g_l = jnp.tanh(gl[:, 2 * H:3 * H])
    o_l = jax.nn.sigmoid(gl[:, 3 * H:4 * H])
    h_l = o_l * jnp.tanh(i_l * g_l)

    cat = jnp.concatenate([h2, h_l], axis=1)
    sub = jax.lax.dot_general(cat, wc_ref[...], _DN,
                              preferred_element_type=jnp.float32)
    sub_ref[...] = jnp.tanh(sub + bc_ref[...])
    h_ref[...] = h2
    c_ref[...] = c2


def _fill_body(pw_ref, ps_ref, h_ref, c_ref, oh_ref, oc_ref):
    b = pl.program_id(0)
    r = pw_ref[b] * NS + ps_ref[b] + 1
    zeros = jnp.zeros((1, ROWS, H), jnp.float32)
    oh_ref[...] = zeros
    oc_ref[...] = zeros
    oh_ref[0, pl.ds(r, 1), :] = h_ref[0]
    oc_ref[0, pl.ds(r, 1), :] = c_ref[0]


def kernel(char, stack_hidden, stack_cell, pos_word, pos_subword,
           W_ih_r, W_hh_r, b_ih_r, b_hh_r,
           W_ih_l, W_hh_l, b_ih_l, b_hh_l,
           W_comp, b_comp):
    f32 = jnp.float32
    sub, h2, c2 = pl.pallas_call(
        _compute_body,
        out_shape=(
            jax.ShapeDtypeStruct((B, H), f32),
            jax.ShapeDtypeStruct((B, H), f32),
            jax.ShapeDtypeStruct((B, H), f32),
        ),
    )(char, W_ih_r, b_ih_r.reshape(1, -1), b_hh_r.reshape(1, -1),
      W_ih_l, b_ih_l.reshape(1, -1), b_hh_l.reshape(1, -1),
      W_comp, b_comp.reshape(1, -1))

    pw = pos_word.astype(jnp.int32)
    ps = pos_subword.astype(jnp.int32)
    oh, oc = pl.pallas_call(
        _fill_body,
        grid=(B,),
        in_specs=[
            pl.BlockSpec(memory_space=pltpu.SMEM),
            pl.BlockSpec(memory_space=pltpu.SMEM),
            pl.BlockSpec((1, 1, H), lambda b: (b, 0, 0)),
            pl.BlockSpec((1, 1, H), lambda b: (b, 0, 0)),
        ],
        out_specs=(
            pl.BlockSpec((1, ROWS, H), lambda b: (b, 0, 0)),
            pl.BlockSpec((1, ROWS, H), lambda b: (b, 0, 0)),
        ),
        out_shape=(
            jax.ShapeDtypeStruct((B, ROWS, H), f32),
            jax.ShapeDtypeStruct((B, ROWS, H), f32),
        ),
        compiler_params=pltpu.CompilerParams(
            dimension_semantics=("arbitrary",),
        ),
    )(pw, ps, h2.reshape(B, 1, H), c2.reshape(B, 1, H))

    return (sub,
            oh.reshape(B, NW, NS, H),
            oc.reshape(B, NW, NS, H))

# --- scband reference (transcript-rebuilt; emitter-appended) ---
"""Pipeline reference for scband-subword-stack-lstmcell-57930518888543 (READ-ONLY COPY).

The authoritative reference and input builder live on the scoring server;
editing this copy changes nothing except your own understanding.
"""

import jax, jax.numpy as jnp
import numpy as np

B = 256      # batch_size
IN = 256     # input_size
H = 256      # hidden_size
NW = 32      # max_words_num
NS = 33      # max_subword_size


def lstm_cell(x, h, c, W_ih, W_hh, b_ih, b_hh):
    # PyTorch LSTMCell gate order: i, f, g, o
    gates = x @ W_ih.T + b_ih + h @ W_hh.T + b_hh
    i, f, g, o = jnp.split(gates, 4, axis=1)
    i = jax.nn.sigmoid(i)
    f = jax.nn.sigmoid(f)
    g = jnp.tanh(g)
    o = jax.nn.sigmoid(o)
    c2 = f * c + i * g
    h2 = o * jnp.tanh(c2)
    return h2, c2


def setup_inputs(seed: int = 0) -> dict:
    key = jax.random.key(seed)
    ks = jax.random.split(key, 16)
    inp = {}
    inp['char'] = jax.random.normal(ks[0], (B, IN), dtype=jnp.float32)
    # stack state created by init_stack (zeros), positions from update_pos history
    inp['stack_hidden'] = jnp.zeros((B, NW, NS, H), dtype=jnp.float32)
    inp['stack_cell'] = jnp.zeros((B, NW, NS, H), dtype=jnp.float32)
    inp['pos_word'] = jax.random.randint(ks[1], (B,), 0, NW)
    inp['pos_subword'] = jax.random.randint(ks[2], (B,), 0, NS - 1)  # +1 stays in range
    s = 0.05
    # lstm_r parameters
    inp['W_ih_r'] = jax.random.normal(ks[3], (4 * H, IN), dtype=jnp.float32) * s
    inp['W_hh_r'] = jax.random.normal(ks[4], (4 * H, H), dtype=jnp.float32) * s
    inp['b_ih_r'] = jax.random.uniform(ks[5], (4 * H,), dtype=jnp.float32)
    inp['b_hh_r'] = jax.random.uniform(ks[6], (4 * H,), dtype=jnp.float32)
    # lstm_l parameters
    inp['W_ih_l'] = jax.random.normal(ks[7], (4 * H, IN), dtype=jnp.float32) * s
    inp['W_hh_l'] = jax.random.normal(ks[8], (4 * H, H), dtype=jnp.float32) * s
    inp['b_ih_l'] = jax.random.uniform(ks[9], (4 * H,), dtype=jnp.float32)
    inp['b_hh_l'] = jax.random.uniform(ks[10], (4 * H,), dtype=jnp.float32)
    # word_compose: Linear(2H, H) + Tanh
    inp['W_comp'] = jax.random.normal(ks[11], (H, 2 * H), dtype=jnp.float32) * s
    inp['b_comp'] = jax.random.uniform(ks[12], (H,), dtype=jnp.float32)
    return inp


def reference(char, stack_hidden, stack_cell, pos_word, pos_subword,
              W_ih_r, W_hh_r, b_ih_r, b_hh_r,
              W_ih_l, W_hh_l, b_ih_l, b_hh_l,
              W_comp, b_comp):
    batch_idx = jnp.arange(B)
    # gather (h, c) from the stack at (batch, pos_word, pos_subword)
    h = stack_hidden[batch_idx, pos_word, pos_subword, :]
    c = stack_cell[batch_idx, pos_word, pos_subword, :]
    h, c = lstm_cell(char, h, c, W_ih_r, W_hh_r, b_ih_r, b_hh_r)
    # scatter-overwrite the new state at pos_subword + 1 (stateful side effect in torch)
    new_stack_hidden = stack_hidden.at[batch_idx, pos_word, pos_subword + 1, :].set(h)
    new_stack_cell = stack_cell.at[batch_idx, pos_word, pos_subword + 1, :].set(c)
    # lstm_l called with no state -> zero (h, c)
    h0 = jnp.zeros((B, H), dtype=char.dtype)
    c0 = jnp.zeros((B, H), dtype=char.dtype)
    h_l, c_l = lstm_cell(char, h0, c0, W_ih_l, W_hh_l, b_ih_l, b_hh_l)
    subword = jnp.tanh(jnp.concatenate([h, h_l], axis=1) @ W_comp.T + b_comp)
    return subword, new_stack_hidden, new_stack_cell

if __name__ == "__main__":
    import jax
    _d = setup_inputs()
    print(jax.jit(kernel)(*tuple(_d.values())))

</pallas_src>

<mosaic_0001>
module attributes {stable_mosaic.version = 14 : i64} {
  func.func @_compute_body(%arg0: memref<256x256xf32, #tpu.memory_space<vmem>>, %arg1: memref<1024x256xf32, #tpu.memory_space<vmem>>, %arg2: memref<1x1024xf32, #tpu.memory_space<vmem>>, %arg3: memref<1x1024xf32, #tpu.memory_space<vmem>>, %arg4: memref<1024x256xf32, #tpu.memory_space<vmem>>, %arg5: memref<1x1024xf32, #tpu.memory_space<vmem>>, %arg6: memref<1x1024xf32, #tpu.memory_space<vmem>>, %arg7: memref<256x512xf32, #tpu.memory_space<vmem>>, %arg8: memref<1x256xf32, #tpu.memory_space<vmem>>, %arg9: memref<256x256xf32, #tpu.memory_space<vmem>>, %arg10: memref<256x256xf32, #tpu.memory_space<vmem>>, %arg11: memref<256x256xf32, #tpu.memory_space<vmem>>) attributes {dimension_semantics = [], scalar_prefetch = 0 : i64, scratch_operands = 0 : i64, tpu.core_type = #tpu.core_type<tc>} {
    %get3A = arith.constant 0 : index
    %get3A_0 = arith.constant 0 : index
    %get3A_1 = vector.load %arg0[%get3A, %get3A_0] : memref<256x256xf32, #tpu.memory_space<vmem>>, vector<256x256xf32>
    %get3A_2 = arith.constant 0 : index
    %get3A_3 = arith.constant 0 : index
    %get3A_4 = vector.load %arg1[%get3A_2, %get3A_3] : memref<1024x256xf32, #tpu.memory_space<vmem>>, vector<1024x256xf32>
    %dot_general3A = arith.constant dense<0.000000e+00> : vector<256x1024xf32>
    %dot_general3A_5 = tpu.matmul %get3A_1, %get3A_4, %dot_general3A {dimension_numbers = #tpu.dot_dimension_numbers<[1], [1], [0], [0], [0, 0, 1, 0], [], []>, transpose_lhs_hint = false} : vector<256x256xf32>, vector<1024x256xf32>, vector<256x1024xf32> -> vector<256x1024xf32>
    %get3A_6 = arith.constant 0 : index
    %get3A_7 = arith.constant 0 : index
    %get3A_8 = vector.load %arg2[%get3A_6, %get3A_7] : memref<1x1024xf32, #tpu.memory_space<vmem>>, vector<1x1024xf32>
    %add3A = vector.broadcast %get3A_8 : vector<1x1024xf32> to vector<256x1024xf32>
    %add3A_9 = arith.addf %dot_general3A_5, %add3A : vector<256x1024xf32>
    %get3A_10 = arith.constant 0 : index
    %get3A_11 = arith.constant 0 : index
    %get3A_12 = vector.load %arg3[%get3A_10, %get3A_11] : memref<1x1024xf32, #tpu.memory_space<vmem>>, vector<1x1024xf32>
    %add3A_13 = vector.broadcast %get3A_12 : vector<1x1024xf32> to vector<256x1024xf32>
    %add3A_14 = arith.addf %add3A_9, %add3A_13 : vector<256x1024xf32>
    %slice3A = vector.extract_strided_slice %add3A_14 {offsets = [0, 0], sizes = [256, 256], strides = [1, 1]} : vector<256x1024xf32> to vector<256x256xf32>
    %logistic3A = arith.negf %slice3A : vector<256x256xf32>
    %logistic3A_15 = math.exp %logistic3A : vector<256x256xf32>
    %logistic3A_16 = arith.constant 1.000000e+00 : f32
    %logistic3A_17 = vector.broadcast %logistic3A_16 : f32 to vector<256x256xf32>
    %logistic3A_18 = arith.addf %logistic3A_17, %logistic3A_15 : vector<256x256xf32>
    %logistic3A_19 = arith.divf %logistic3A_17, %logistic3A_18 : vector<256x256xf32>
    %slice3A_20 = vector.extract_strided_slice %add3A_14 {offsets = [0, 512], sizes = [256, 256], strides = [1, 1]} : vector<256x1024xf32> to vector<256x256xf32>
    %tanh3A = math.tanh %slice3A_20 : vector<256x256xf32>
    %slice3A_21 = vector.extract_strided_slice %add3A_14 {offsets = [0, 768], sizes = [256, 256], strides = [1, 1]} : vector<256x1024xf32> to vector<256x256xf32>
    %logistic3A_22 = arith.negf %slice3A_21 : vector<256x256xf32>
    %logistic3A_23 = math.exp %logistic3A_22 : vector<256x256xf32>
    %logistic3A_24 = arith.constant 1.000000e+00 : f32
    %logistic3A_25 = vector.broadcast %logistic3A_24 : f32 to vector<256x256xf32>
    %logistic3A_26 = arith.addf %logistic3A_25, %logistic3A_23 : vector<256x256xf32>
    %logistic3A_27 = arith.divf %logistic3A_25, %logistic3A_26 : vector<256x256xf32>
    %mul3A = arith.mulf %logistic3A_19, %tanh3A : vector<256x256xf32>
    %tanh3A_28 = math.tanh %mul3A : vector<256x256xf32>
    %mul3A_29 = arith.mulf %logistic3A_27, %tanh3A_28 : vector<256x256xf32>
    %get3A_30 = arith.constant 0 : index
    %get3A_31 = arith.constant 0 : index
    %get3A_32 = vector.load %arg4[%get3A_30, %get3A_31] : memref<1024x256xf32, #tpu.memory_space<vmem>>, vector<1024x256xf32>
    %dot_general3A_33 = arith.constant dense<0.000000e+00> : vector<256x1024xf32>
    %dot_general3A_34 = tpu.matmul %get3A_1, %get3A_32, %dot_general3A_33 {dimension_numbers = #tpu.dot_dimension_numbers<[1], [1], [0], [0], [0, 0, 1, 0], [], []>, transpose_lhs_hint = false} : vector<256x256xf32>, vector<1024x256xf32>, vector<256x1024xf32> -> vector<256x1024xf32>
    %get3A_35 = arith.constant 0 : index
    %get3A_36 = arith.constant 0 : index
    %get3A_37 = vector.load %arg5[%get3A_35, %get3A_36] : memref<1x1024xf32, #tpu.memory_space<vmem>>, vector<1x1024xf32>
    %add3A_38 = vector.broadcast %get3A_37 : vector<1x1024xf32> to vector<256x1024xf32>
    %add3A_39 = arith.addf %dot_general3A_34, %add3A_38 : vector<256x1024xf32>
    %get3A_40 = arith.constant 0 : index
    %get3A_41 = arith.constant 0 : index
    %get3A_42 = vector.load %arg6[%get3A_40, %get3A_41] : memref<1x1024xf32, #tpu.memory_space<vmem>>, vector<1x1024xf32>
    %add3A_43 = vector.broadcast %get3A_42 : vector<1x1024xf32> to vector<256x1024xf32>
    %add3A_44 = arith.addf %add3A_39, %add3A_43 : vector<256x1024xf32>
    %slice3A_45 = vector.extract_strided_slice %add3A_44 {offsets = [0, 0], sizes = [256, 256], strides = [1, 1]} : vector<256x1024xf32> to vector<256x256xf32>
    %logistic3A_46 = arith.negf %slice3A_45 : vector<256x256xf32>
    %logistic3A_47 = math.exp %logistic3A_46 : vector<256x256xf32>
    %logistic3A_48 = arith.constant 1.000000e+00 : f32
    %logistic3A_49 = vector.broadcast %logistic3A_48 : f32 to vector<256x256xf32>
    %logistic3A_50 = arith.addf %logistic3A_49, %logistic3A_47 : vector<256x256xf32>
    %logistic3A_51 = arith.divf %logistic3A_49, %logistic3A_50 : vector<256x256xf32>
    %slice3A_52 = vector.extract_strided_slice %add3A_44 {offsets = [0, 512], sizes = [256, 256], strides = [1, 1]} : vector<256x1024xf32> to vector<256x256xf32>
    %tanh3A_53 = math.tanh %slice3A_52 : vector<256x256xf32>
    %slice3A_54 = vector.extract_strided_slice %add3A_44 {offsets = [0, 768], sizes = [256, 256], strides = [1, 1]} : vector<256x1024xf32> to vector<256x256xf32>
    %logistic3A_55 = arith.negf %slice3A_54 : vector<256x256xf32>
    %logistic3A_56 = math.exp %logistic3A_55 : vector<256x256xf32>
    %logistic3A_57 = arith.constant 1.000000e+00 : f32
    %logistic3A_58 = vector.broadcast %logistic3A_57 : f32 to vector<256x256xf32>
    %logistic3A_59 = arith.addf %logistic3A_58, %logistic3A_56 : vector<256x256xf32>
    %logistic3A_60 = arith.divf %logistic3A_58, %logistic3A_59 : vector<256x256xf32>
    %mul3A_61 = arith.mulf %logistic3A_51, %tanh3A_53 : vector<256x256xf32>
    %tanh3A_62 = math.tanh %mul3A_61 : vector<256x256xf32>
    %mul3A_63 = arith.mulf %logistic3A_60, %tanh3A_62 : vector<256x256xf32>
    %concatenate3A = tpu.concatenate %mul3A_29, %mul3A_63 in 1 : vector<256x256xf32>, vector<256x256xf32> -> vector<256x512xf32>
    %get3A_64 = arith.constant 0 : index
    %get3A_65 = arith.constant 0 : index
    %get3A_66 = vector.load %arg7[%get3A_64, %get3A_65] : memref<256x512xf32, #tpu.memory_space<vmem>>, vector<256x512xf32>
    %dot_general3A_67 = arith.constant dense<0.000000e+00> : vector<256x256xf32>
    %dot_general3A_68 = tpu.matmul %concatenate3A, %get3A_66, %dot_general3A_67 {dimension_numbers = #tpu.dot_dimension_numbers<[1], [1], [0], [0], [0, 0, 1, 0], [], []>, transpose_lhs_hint = false} : vector<256x512xf32>, vector<256x512xf32>, vector<256x256xf32> -> vector<256x256xf32>
    %get3A_69 = arith.constant 0 : index
    %get3A_70 = arith.constant 0 : index
    %get3A_71 = vector.load %arg8[%get3A_69, %get3A_70] : memref<1x256xf32, #tpu.memory_space<vmem>>, vector<1x256xf32>
    %add3A_72 = vector.broadcast %get3A_71 : vector<1x256xf32> to vector<256x256xf32>
    %add3A_73 = arith.addf %dot_general3A_68, %add3A_72 : vector<256x256xf32>
    %tanh3A_74 = math.tanh %add3A_73 : vector<256x256xf32>
    %swap3A = arith.constant 0 : index
    %swap3A_75 = arith.constant 0 : index
    %swap3A_76 = vector.load %arg9[%swap3A, %swap3A_75] : memref<256x256xf32, #tpu.memory_space<vmem>>, vector<256x256xf32>
    tpu.vector_store %arg9[%swap3A, %swap3A_75], %tanh3A_74 {strides = array<i32>} : memref<256x256xf32, #tpu.memory_space<vmem>>, vector<256x256xf32>,
    %swap3A_77 = arith.constant 0 : index
    %swap3A_78 = arith.constant 0 : index
    %swap3A_79 = vector.load %arg10[%swap3A_77, %swap3A_78] : memref<256x256xf32, #tpu.memory_space<vmem>>, vector<256x256xf32>
    tpu.vector_store %arg10[%swap3A_77, %swap3A_78], %mul3A_29 {strides = array<i32>} : memref<256x256xf32, #tpu.memory_space<vmem>>, vector<256x256xf32>,
    %swap3A_80 = arith.constant 0 : index
    %swap3A_81 = arith.constant 0 : index
    %swap3A_82 = vector.load %arg11[%swap3A_80, %swap3A_81] : memref<256x256xf32, #tpu.memory_space<vmem>>, vector<256x256xf32>
    tpu.vector_store %arg11[%swap3A_80, %swap3A_81], %mul3A {strides = array<i32>} : memref<256x256xf32, #tpu.memory_space<vmem>>, vector<256x256xf32>,
    return
  }
}

module attributes {stable_mosaic.version = 14 : i64} {
  func.func @_fill_body(%arg0: i32, %arg1: memref<256xi32, #tpu.memory_space<smem>>, %arg2: memref<256xi32, #tpu.memory_space<smem>>, %arg3: memref<1x1x256xf32, #tpu.memory_space<vmem>>, %arg4: memref<1x1x256xf32, #tpu.memory_space<vmem>>, %arg5: memref<1x1056x256xf32, #tpu.memory_space<vmem>>, %arg6: memref<1x1056x256xf32, #tpu.memory_space<vmem>>) attributes {dimension_semantics = [#tpu.dimension_semantics<arbitrary>], iteration_bounds = array<i64: 256>, scalar_prefetch = 0 : i64, scratch_operands = 0 : i64, tpu.core_type = #tpu.core_type<tc>, window_params = [{transform_indices = @transform_0, window_bounds = array<i64: 256>}, {transform_indices = @transform_1, window_bounds = array<i64: 256>}, {transform_indices = @transform_2, window_bounds = array<i64: 1, 1, 256>}, {transform_indices = @transform_3, window_bounds = array<i64: 1, 1, 256>}, {transform_indices = @transform_4, window_bounds = array<i64: 1, 1056, 256>}, {transform_indices = @transform_5, window_bounds = array<i64: 1, 1056, 256>}]} {
    %get3A = arith.index_cast %arg0 : i32 to index
    %get3A_0 = memref.load %arg1[%get3A] : memref<256xi32, #tpu.memory_space<smem>>
    %mul3A = arith.constant 33 : i32
    %mul3A_1 = arith.muli %get3A_0, %mul3A : i32
    %get3A_2 = arith.index_cast %arg0 : i32 to index
    %get3A_3 = memref.load %arg2[%get3A_2] : memref<256xi32, #tpu.memory_space<smem>>
    %add3A = arith.addi %mul3A_1, %get3A_3 : i32
    %add3A_4 = arith.constant 1 : i32
    %add3A_5 = arith.addi %add3A, %add3A_4 : i32
    %broadcast_in_dim3A = arith.constant 0.000000e+00 : f32
    %broadcast_in_dim3A_6 = vector.broadcast %broadcast_in_dim3A : f32 to vector<1x1056x256xf32>
    %swap3A = arith.constant 0 : index
    %swap3A_7 = arith.constant 0 : index
    %swap3A_8 = arith.constant 0 : index
    %swap3A_9 = vector.load %arg5[%swap3A, %swap3A_7, %swap3A_8] : memref<1x1056x256xf32, #tpu.memory_space<vmem>>, vector<1x1056x256xf32>
    tpu.vector_store %arg5[%swap3A, %swap3A_7, %swap3A_8], %broadcast_in_dim3A_6 {strides = array<i32>} : memref<1x1056x256xf32, #tpu.memory_space<vmem>>, vector<1x1056x256xf32>,
    %swap3A_10 = arith.constant 0 : index
    %swap3A_11 = arith.constant 0 : index
    %swap3A_12 = arith.constant 0 : index
    %swap3A_13 = vector.load %arg6[%swap3A_10, %swap3A_11, %swap3A_12] : memref<1x1056x256xf32, #tpu.memory_space<vmem>>, vector<1x1056x256xf32>
    tpu.vector_store %arg6[%swap3A_10, %swap3A_11, %swap3A_12], %broadcast_in_dim3A_6 {strides = array<i32>} : memref<1x1056x256xf32, #tpu.memory_space<vmem>>, vector<1x1056x256xf32>,
    %get3A_14 = arith.constant 0 : index
    %get3A_15 = arith.constant 0 : index
    %get3A_16 = arith.constant 0 : index
    %get3A_17 = vector.load %arg3[%get3A_14, %get3A_15, %get3A_16] : memref<1x1x256xf32, #tpu.memory_space<vmem>>, vector<1x1x256xf32>
    %get3A_18 = vector.shape_cast %get3A_17 : vector<1x1x256xf32> to vector<1x256xf32>
    %swap3A_19 = arith.constant 0 : index
    %swap3A_20 = arith.index_cast %add3A_5 : i32 to index
    %swap3A_21 = arith.constant 0 : index
    %swap3A_22 = vector.load %arg5[%swap3A_19, %swap3A_20, %swap3A_21] : memref<1x1056x256xf32, #tpu.memory_space<vmem>>, vector<1x1x256xf32>
    %swap3A_23 = vector.shape_cast %swap3A_22 : vector<1x1x256xf32> to vector<1x256xf32>
    %swap3A_24 = vector.shape_cast %get3A_18 : vector<1x256xf32> to vector<1x1x256xf32>
    tpu.vector_store %arg5[%swap3A_19, %swap3A_20, %swap3A_21], %swap3A_24 {strides = array<i32>} : memref<1x1056x256xf32, #tpu.memory_space<vmem>>, vector<1x1x256xf32>,
    %get3A_25 = arith.constant 0 : index
    %get3A_26 = arith.constant 0 : index
    %get3A_27 = arith.constant 0 : index
    %get3A_28 = vector.load %arg4[%get3A_25, %get3A_26, %get3A_27] : memref<1x1x256xf32, #tpu.memory_space<vmem>>, vector<1x1x256xf32>
    %get3A_29 = vector.shape_cast %get3A_28 : vector<1x1x256xf32> to vector<1x256xf32>
    %swap3A_30 = arith.constant 0 : index
    %swap3A_31 = arith.index_cast %add3A_5 : i32 to index
    %swap3A_32 = arith.constant 0 : index
    %swap3A_33 = vector.load %arg6[%swap3A_30, %swap3A_31, %swap3A_32] : memref<1x1056x256xf32, #tpu.memory_space<vmem>>, vector<1x1x256xf32>
    %swap3A_34 = vector.shape_cast %swap3A_33 : vector<1x1x256xf32> to vector<1x256xf32>
    %swap3A_35 = vector.shape_cast %get3A_29 : vector<1x256xf32> to vector<1x1x256xf32>
    tpu.vector_store %arg6[%swap3A_30, %swap3A_31, %swap3A_32], %swap3A_35 {strides = array<i32>} : memref<1x1056x256xf32, #tpu.memory_space<vmem>>, vector<1x1x256xf32>,
    return
  }
  func.func @transform_0(%arg0: i32) -> i32 {
    %c0_i32 = arith.constant 0 : i32
    %c0_i32_0 = arith.constant 0 : i32
    return %c0_i32 : i32
  }
  func.func @transform_1(%arg0: i32) -> i32 {
    %c0_i32 = arith.constant 0 : i32
    %c0_i32_0 = arith.constant 0 : i32
    return %c0_i32 : i32
  }
  func.func @transform_2(%arg0: i32) -> (i32, i32, i32) {
    %c0_i32 = arith.constant 0 : i32
    %c0_i32_0 = arith.constant 0 : i32
    %c0_i32_1 = arith.constant 0 : i32
    return %arg0, %c0_i32, %c0_i32_0 : i32, i32, i32
  }
  func.func @transform_3(%arg0: i32) -> (i32, i32, i32) {
    %c0_i32 = arith.constant 0 : i32
    %c0_i32_0 = arith.constant 0 : i32
    %c0_i32_1 = arith.constant 0 : i32
    return %arg0, %c0_i32, %c0_i32_0 : i32, i32, i32
  }
  func.func @transform_4(%arg0: i32) -> (i32, i32, i32) {
    %c0_i32 = arith.constant 0 : i32
    %c0_i32_0 = arith.constant 0 : i32
    %c0_i32_1 = arith.constant 0 : i32
    return %arg0, %c0_i32, %c0_i32_0 : i32, i32, i32
  }
  func.func @transform_5(%arg0: i32) -> (i32, i32, i32) {
    %c0_i32 = arith.constant 0 : i32
    %c0_i32_0 = arith.constant 0 : i32
    %c0_i32_1 = arith.constant 0 : i32
    return %arg0, %c0_i32, %c0_i32_0 : i32, i32, i32
  }
}

</mosaic_0001>

<sc_bundles>
// kernel: sparse-core-data-format-call.1.cloned.1.call-start
scs
called_computation.1_lowered:
.L_overlay_start_0:
0x0: {  	s2 =	sld [smem:$0x3FD9]  }
0x1: {  	s3 =	sld [smem:$0x3FFE];
	_ =	sdelay $0x1  }
0x2: {  	s1 =	srdreg.scid  }
0x3: {  	s0 =	sand.u32 $0x1, s1  }
0x4: {  	s16 =	sshll.u32 s0, $0xA;
	s2 =	sadd.s32 s3, s2  }
0x5: {  	s2 =	sadd.s32 s2, s16  }
0x6: {  	[smem:$0x3FBD] =	sst s2  }
0x7: {  	_ = 	snop  }
0x8: {  	s2 =	sld [smem:$0x3FD0];
	_ =	sdelay $0x2  }
0x9: {  	s17 =	simm.s32 $0xB;
	s4 =	simm.s32 $0x10  }
0xa: {  	[smem:s4], [sflag:s17] =	dma.local [hbm:s2], $0x1  }
0xb: {  	_ =	swait.eq [sflag:s17], $0x1  }
0xc: {  	[sflag:s17] =	ssyncset.done $0x0  }
0xd: {  	[sflag:s17] =	ssyncadd.s32 $0xFFFFFFFF  }
0xe: {  	s18 =	sld [smem:$0x11];
	(tm) =	ssettm $0x1  }
0xf: {  	s19 =	sld [smem:$0x3FFB];
	_ =	sdelay $0x3  }
0x10: {  	_ =	strace s19  }
0x11: {  	s2 =	sld [smem:$0x3FFC];
	_ =	sdelay $0x3  }
0x12: {  	_ =	strace s2  }
0x13: {  	s2 =	sld [smem:$0x3FFD];
	_ =	sdelay $0x3  }
0x14: {  	_ =	strace s2  }
0x15: {  	_ =	strace $0x8FFFFFFF  }
0x16: {  	s20 =	sld [smem:$0x3FDB];
	_ =	sdelay $0x1  }
0x17: {  	s21 =	simm.s32 $_scs_section_size  }
0x18: {  	s5 =	simm.s32 $_size__tile_overlayer_lowered;
	s6 =	simm.s32 $_tile_overlayer_lowered  }
0x19: {  	s7 =	simm.s32 $0x1BFF;
	s22 =	sshll.u32 s6, $0x1;
	s4 =	sadd.s32 s21, s20  }
0x1a: {  	s23 =	simm.s32 $0x0;
	s5 =	sshll.u32 s5, $0x1;
	s6 =	sadd.s32 s22, s4  }
0x1b: {  	[timem:s23], [sflag:s7] =	dma.local [hbm:s6], s5  }
0x1c: {  	_ =	swait.ge [sflag:s7], s5  }
0x1d: {  	s5 =	ssub.s32 $0x0, s5;
	[sflag:s7] =	ssyncset.done $0x0  }
0x1e: {  	[sflag:s7] =	ssyncadd.s32 s5;
	_ =	sdelay $0x1  }
0x1f: {  	s24 =	simm.s32 $0x1B8B  }
0x20: {  	_ =	swait.ge [sflag:s24], $0x1  }
0x21: {  	[sflag:s24] =	ssyncset.done $0x0  }
0x22: {  	[sflag:s24] =	ssyncadd.s32 $0xFFFFFFFF  }
0x23: {  	s5 =	sld [smem:$0x0]  }
0x24: {  	s6 =	sand.u32 $0xFFFFFFFE, s1  }
0x25: {  	p0 =	sne.s32 s1, s6  }
0x26: {  	s6 =	sshll.u32 @p0 s6, $0xE  }
0x27: {  	s6 =	sadd.s32 @p0 $0x11B8D, s6;
	s7 =	sshll.u32 @p0 s5, $0x11  }
0x28: {  	s6 =	sor.u32 @p0 s7, s6  }
0x29: {  	[sflag:s6] =	ssyncadd.remote.s32 @p0 $0x1;
	_ =	sdelay $0x1  }
0x2a: {  	s6 =	simm.s32 @p0 $0x1B8D  }
0x2b: {  	_ =	swait.eq @p0 [sflag:s6], $0x1  }
0x2c: {  	[sflag:s6] =	ssyncadd.s32 @p0 $0xFFFFFFFF  }
0x2d: {  	s7 =	sshll.u32 @!p0 s1, $0xE  }
0x2e: {  	s7 =	sor.u32 @!p0 $0x4000, s7;
	s6 =	simm.s32 @!p0 $0x1B8D  }
0x2f: {  	s5 =	sshll.u32 @!p0 s5, $0x11;
	s7 =	sadd.s32 @!p0 $0x11B8D, s7;
	_ =	swait.eq @!p0 [sflag:s6], $0x1  }
0x30: {  	s5 =	sor.u32 @!p0 s5, s7;
	[sflag:s6] =	ssyncadd.s32 @!p0 $0xFFFFFFFF  }
0x31: {  	s26 =	simm.s32 $0x1B8E;
	s25 =	sld [smem:$0x3FFE];
	[sflag:s5] =	ssyncadd.remote.s32 @!p0 $0x1  }
0x32: {  	s27 =	simm.s32 $execute0_lowered;
	[smem:$0x3FD2] =	sst s26  }
0x33: {  	s6 =	sshll.u32 s27, $0x1;
	_ =	strace $0x80000049;
	[dreg:$0x1] =	wrdreg $0xFFFFFFFF  }
0x34: {  	s28 =	simm.s32 $_size_execute0_lowered;
	s4 =	sadd.s32 s4, s6;
	[dreg:$0x0] =	wrdreg $0x0  }
0x35: {  	s6 =	sshll.u32 s28, $0x1;
	[dreg:$0x2] =	wrdreg s4  }
0x36: {  	[dreg:$0x3] =	wrdreg s6  }
0x37: {  	[dreg:$0x4] =	wrdreg $0xC0  }
0x38: {  	_ =	task [dreg:s23], $0x5FFFF  }
0x39: {  	[dreg:$0x1] =	wrdreg $0xFFFFFFFF  }
0x3a: {  	[dreg:$0x0] =	wrdreg $0x60  }
0x3b: {  	[dreg:$0x2] =	wrdreg s25  }
0x3c: {  	[dreg:$0x3] =	wrdreg s18  }
0x3d: {  	[dreg:$0x4] =	wrdreg $0xA  }
0x3e: {  	_ =	task.clear_ibuf [dreg:s23], $0x5FFFF;
	_ =	strace $0x90000049  }
0x3f: {  	s29 =	simm.s32 $0xA;
	_ =	strace $0x8000004B  }
0x40: {  	_ =	swait.ge [sflag:s29], $0x1  }
0x41: {  	[sflag:s29] =	ssyncadd.s32 $0xFFFFFFFF  }
0x42: {  	_ =	strace $0x9000004B  }
0x43: {  	_ =	sfence  }
0x44: {  	s30 =	sld [smem:$0x0];
	_ =	sdelay $0x2  }
0x45: {  	s31 =	sshll.u32 s1, $0xD;
	s1 =	sshrl.u32 s1, $0x2  }
0x46: {  	s4 =	sand.u32 $0x4000, s31;
	s1 =	sadd.s32 s1, s30  }
0x47: {  	s0 =	sor.u32 s4, s0;
	s1 =	sshll.u32 s1, $0x11  }
0x48: {  	s0 =	sor.u32 s1, s0  }
0x49: {  	s0 =	sadd.s32 $0x8F2B, s0  }
0x4a: {  	[sflag:s0] =	ssyncadd.remote.s32 $0x1  }
0x4b: {  	_ =	sfence.sel $0xFFFF  }
0x4c: {  	[dreg:$0x0] =	wrdreg $0xFFFFFFFF;
	(pc) =	sbr.abs _section_cstart, $3  }
0x4d: {  	[dreg:$0x1] =	wrdreg $0xFFFFFFFF  }
0x4e: {  	_ =	task.clear_ibuf [dreg:s23], $0x2FFFF;
	_ =	strace $0x9FFFFFFF  }
0x4f: {  	(tm) =	ssettm $0x7FFFFFFF  }
tec
execute0_lowered:
.L_overlay_start_1:
0x0: {  	(tag) =	ssettag $0x1  }
0x1: {  	s1 =	rddreg [dreg:$0x0]  }
0x2: {  	s2 =	rddreg [dreg:$0x1]  }
0x3: {  	s0 =	rddreg [dreg:$0x2];
	_ =	strace $0x8000004A;
	s4 =	srdreg.scid  }
0x4: {  	s6 =	simm.s32 $0x2;
	s12 =	simm.s32 $0x0;
	p0 =	por $0x0, $0x0  }
0x5: {  	s13 =	simm.s32 $0x0;
	s14 =	simm.s32 $0x0;
	s15 =	simm.s32 $0x0  }
.Ltmp0:
0x6: {  	s8 =	simm.s32 $0x0;
	s9 =	simm.s32 $0x0;
	(pc) =	sbr.rel .LBB1_1-.Ltmp0, $4  }
0x7: {  	s10 =	simm.s32 $0x0;
	s3 =	sadd.s32 $0x842200, s1;
	s5 =	sshll.u32 s4, $0x4  }
0x8: {  	s1 =	stileid.u32;
	s4 =	simm.s32 $0x1;
	s5 =	sand.u32 $0x10, s5  }
0x9: {  	s7 =	simm.s32 $0x0;
	[sflag:s4] =	ssyncpa.u1 $0x0;
	s5 =	sor.u32 s1, s5  }
0xa: {  	[sflag:s6] =	ssyncpa.u1 $0x0;
	s6 =	simm.s32 $0x42000;
	s11 =	smov.u32 s5  }
.LBB1_5:
0xb: {  	s16 =	sadd.s32 $0x80, s8  }
0xc: {  	s12 =	sadd.s32 $0x80, s9;
	s17 =	smov.u32 s9;
	p2 =	sgt.s32 s16, $0xFF  }
0xd: {  	s17 =	smov.u32 @p2 s12  }
0xe: {  	s12 =	simm.s32 $0x1;
	p3 =	sgt.s32 s17, $0xFF  }
0xf: {  	s12 =	simm.s32 @!p3 $0x0  }
0x10: {  	s18 =	sadd.s32 s12, s10  }
0x11: {  	s19 =	smov.u32 s11;
	s12 =	sadd.s32 $0x20, s11;
	p4 =	sgt.s32 s18, $0x20  }
0x12: {  	p1 =	slt.u32 s7, $0x2;
	s19 =	smov.u32 @p4 s12  }
0x13: {  	s7 =	sadd.s32 $0x1, s7;
	s16 =	simm.s32 @p2 $0x0;
	p2 =	sgt.s32 s19, $0x1F  }
0x14: {  	s20 =	simm.s32 @!p1 $0x2;
	s19 =	smov.u32 @p2 s5;
	p2 =	sne.s32 s7, $0x86  }
.Ltmp1:
0x15: {  	s13 =	smov.u32 s9;
	_ =	swait.ge @!p1 [sflag:s20], $0x4000;
	(pc) =	sbr.rel @!p2 .LBB1_6-.Ltmp1, $4  }
0x16: {  	s14 =	smov.u32 s10;
	s15 =	smov.u32 s11;
	[sflag:s20] =	ssyncset.done @!p1 $0x0  }
0x17: {  	p0 =	por !p0, !p0;
	s17 =	simm.s32 @p3 $0x0;
	[sflag:s20] =	ssyncadd.s32 @!p1 $0xFFFFC000  }
0x18: {  	s9 =	smov.u32 s17;
	s18 =	simm.s32 @p4 $0x0;
	s12 =	smov.u32 s8  }
0x19: {  	s8 =	smov.u32 s16;
	s10 =	smov.u32 s18;
	s11 =	smov.u32 s19  }
.LBB1_1:
0x1a: {  	p1 =	sgt.u32 s7, $0x83  }
0x1b: {  	s16 =	sxor.u32 @!p1 $0xFFFFFFFF, s7;
	s17 =	sshll.u32 @!p1 s9, $0x8;
	s18 =	sshll.u32 @!p1 s8, $0x3  }
0x1c: {  	s19 =	sand.u32 @!p1 $0x78, s8;
	s17 =	sand.u32 @!p1 $0xF800, s17;
	s18 =	sand.u32 @!p1 $0xFC00, s18  }
0x1d: {  	s21 =	smul.u32 @!p1 $0x42000, s11;
	s17 =	sadd.s32 @!p1 s17, s18;
	s18 =	sshll.u32 @!p1 s9, $0x7  }
0x1e: {  	s16 =	sshll.u32 @!p1 s16, $0xE;
	s20 =	sand.u32 @!p1 $0x300, s18;
	s18 =	sand.u32 @!p1 $0x80, s18  }
0x1f: {  	s16 =	sand.u32 @!p1 $0x4000, s16;
	s17 =	sor.u32 @!p1 s20, s17;
	s18 =	sor.u32 @!p1 s19, s18  }
0x20: {  	s19 =	sshll.u32 @!p1 s10, $0xD;
	s20 =	sadd.s32 @!p1 s3, s21;
	s17 =	sshrl.u32 @!p1 s17, $0x3  }
0x21: {  	s18 =	sshrl.u32 @!p1 s18, $0x3;
	s19 =	sadd.s32 @!p1 s19, s20;
	s20 =	sand.u32 @!p1 $0x7, s8  }
0x22: {  	s17 =	sand.u32 @!p1 $0x1FE0, s17;
	s18 =	sadd.s32 @!p1 s18, s19;
	s19 =	sshll.u32 @!p1 s20, $0x12  }
0x23: {  	s17 =	sadd.s32 @!p1 s17, s18;
	s18 =	sor.u32 @!p1 $0x400, s19;
	s19 =	simm.s32 @!p1 $0x800  }
0x24: {  	[tilespmem:s16], [sflag:$0x1] =	stream.strided.gather @!p1 [hbm4b:s17+s18], $0x4000, s19, s18, $0x38;
	[tilespmem:$0x10000] =	vst v63  }
0x25: {  	p1 =	seq.s32 s7, $0x0  }
0x26: {  	p2 =	seq.s32 @!p1 s7, $0x85  }
0x27: {  	p1 =	por p1, p2  }
.Ltmp2:
0x28: {  	_ = 	snop;
	(pc) =	sbr.rel @p1 .LBB1_5-.Ltmp2, $1  }
0x29: {  	_ =	sdelay $0x3  }
0x2a: {  	s16 =	simm.s32 $0x1  }
0x2b: {  	s16 =	simm.s32 @!p0 $0x0  }
0x2c: {  	s16 =	sshll.u32 s16, $0xE  }
0x2d: {  	s17 =	sor.u32 $0x40, s16  }
0x2e: {  	v1 =	vmov s17;
	_ =	sdelay $0x1  }
0x2f: {  	_ =	swait.ge [sflag:s4], $0x4000  }
0x30: {  	[sflag:s4] =	ssyncset.done $0x0  }
0x31: {  	s18 =	simm.s32 $0x0;
	[sflag:s4] =	ssyncadd.s32 $0xFFFFC000  }
0x32: {  	s16 =	sor.u32 $0x8070, s16;
	v7 =	vld.idx.msk [tilespmem:v1+s18+$0x30 ss:$0x1], $0xffff  }
0x33: {  	v0 =	vmov s16;
	v8 =	vld.idx.msk [tilespmem:v1+s18+$0xFFFFFFC0 ss:$0x1], $0xffff  }
0x34: {  	v6 =	vld.idx.msk [tilespmem:v1+s18+$0xFFFFFFD0 ss:$0x1], $0xffff  }
0x35: {  	v4 =	vld.idx.msk [tilespmem:v1+s18+$0xFFFFFFE0 ss:$0x1], $0xffff  }
0x36: {  	v2 =	vld.idx.msk [tilespmem:v1+s18+$0xFFFFFFF0 ss:$0x1], $0xffff  }
0x37: {  	s31 =	sshll.u32 s7, $0xE;
	v3 =	vld.idx.msk [tilespmem:v1+s18+$0x0 ss:$0x1], $0xffff  }
0x38: {  	s16 =	sand.u32 $0x4000, s31;
	v5 =	vld.idx.msk [tilespmem:v1+s18+$0x10 ss:$0x1], $0xffff;
	[tilespmem:v0+s18+$0x0 ss:$0x1] =	vst.idx.msk $0xffff, v7  }
0x39: {  	s19 =	simm.s32 $0x400;
	s17 =	simm.s32 $0x80;
	s16 =	sor.u32 $0x8000, s16;
	[tilespmem:v0+s18+$0xFFFFFF90 ss:$0x1] =	vst.idx.msk $0xffff, v8;
	v7 =	vld.idx.msk [tilespmem:v1+s18+$0x20 ss:$0x1], $0xffff  }
.LBB1_3:
0x3a: {  	p1 =	sne.s32 s19, $0xFE00;
	v8 =	vld.idx.msk [tilespmem:v1+s17+$0x30 ss:$0x1], $0xffff;
	[tilespmem:v0+s18+$0xFFFFFFA0 ss:$0x1] =	vst.idx.msk $0xffff, v6  }
0x3b: {  	v9 =	vld.idx.msk [tilespmem:v1+s17+$0xFFFFFFC0 ss:$0x1], $0xffff;
	[tilespmem:v0+s18+$0xFFFFFFB0 ss:$0x1] =	vst.idx.msk $0xffff, v4  }
0x3c: {  	v6 =	vld.idx.msk [tilespmem:v1+s17+$0xFFFFFFD0 ss:$0x1], $0xffff;
	[tilespmem:v0+s18+$0xFFFFFFC0 ss:$0x1] =	vst.idx.msk $0xffff, v2  }
.Ltmp3:
0x3d: {  	v4 =	vld.idx.msk [tilespmem:v1+s17+$0xFFFFFFE0 ss:$0x1], $0xffff;
	[tilespmem:v0+s18+$0xFFFFFFD0 ss:$0x1] =	vst.idx.msk $0xffff, v3;
	(pc) =	sbr.rel @p1 .LBB1_3-.Ltmp3, $4  }
0x3e: {  	v2 =	vld.idx.msk [tilespmem:v1+s17+$0xFFFFFFF0 ss:$0x1], $0xffff;
	[tilespmem:v0+s18+$0xFFFFFFE0 ss:$0x1] =	vst.idx.msk $0xffff, v5  }
0x3f: {  	v3 =	vld.idx.msk [tilespmem:v1+s17+$0x0 ss:$0x1], $0xffff;
	[tilespmem:v0+s18+$0xFFFFFFF0 ss:$0x1] =	vst.idx.msk $0xffff, v7;
	s18 =	smov.u32 s17  }
0x40: {  	v5 =	vld.idx.msk [tilespmem:v1+s18+$0x10 ss:$0x1], $0xffff;
	[tilespmem:v0+s18+$0x0 ss:$0x1] =	vst.idx.msk $0xffff, v8  }
0x41: {  	s17 =	sshra.s32 s19, $0x2;
	s19 =	sadd.s32 $0x200, s19;
	[tilespmem:v0+s18+$0xFFFFFF90 ss:$0x1] =	vst.idx.msk $0xffff, v9;
	v7 =	vld.idx.msk [tilespmem:v1+s18+$0x20 ss:$0x1], $0xffff  }
0x42: {  	_ =	sdelay $0x3  }
0x43: {  	[tilespmem:v0+s18+$0xFFFFFFA0 ss:$0x1] =	vst.idx.msk $0xffff, v6  }
0x44: {  	v56 =	vld.idx.msk [tilespmem:v1+s17+$0x30 ss:$0x1], $0xffff;
	[tilespmem:v0+s18+$0xFFFFFFB0 ss:$0x1] =	vst.idx.msk $0xffff, v4  }
0x45: {  	v57 =	vld.idx.msk [tilespmem:v1+s17+$0xFFFFFFC0 ss:$0x1], $0xffff;
	[tilespmem:v0+s18+$0xFFFFFFC0 ss:$0x1] =	vst.idx.msk $0xffff, v2  }
0x46: {  	v58 =	vld.idx.msk [tilespmem:v1+s17+$0xFFFFFFD0 ss:$0x1], $0xffff;
	[tilespmem:v0+s18+$0xFFFFFFD0 ss:$0x1] =	vst.idx.msk $0xffff, v3  }
0x47: {  	v59 =	vld.idx.msk [tilespmem:v1+s17+$0xFFFFFFE0 ss:$0x1], $0xffff;
	[tilespmem:v0+s18+$0xFFFFFFE0 ss:$0x1] =	vst.idx.msk $0xffff, v5  }
0x48: {  	v60 =	vld.idx.msk [tilespmem:v1+s17+$0xFFFFFFF0 ss:$0x1], $0xffff;
	s26 =	sshll.u32 s15, $0x8;
	[tilespmem:v0+s18+$0xFFFFFFF0 ss:$0x1] =	vst.idx.msk $0xffff, v7  }
0x49: {  	s19 =	sshll.u32 s12, $0x3;
	v61 =	vld.idx.msk [tilespmem:v1+s17+$0x0 ss:$0x1], $0xffff;
	s27 =	sshll.u32 s15, $0x7;
	s29 =	sand.u32 $0x78, s12;
	[tilespmem:v0+s17+$0x0 ss:$0x1] =	vst.idx.msk $0xffff, v56  }
0x4a: {  	v62 =	vld.idx.msk [tilespmem:v1+s17+$0x10 ss:$0x1], $0xffff;
	s13 =	smul.u32 $0x8400, s13;
	s14 =	sshll.u32 s14, $0xA;
	s30 =	sand.u32 $0x7, s12;
	[tilespmem:v0+s17+$0xFFFFFF90 ss:$0x1] =	vst.idx.msk $0xffff, v57  }
0x4b: {  	v63 =	vld.idx.msk [tilespmem:v1+s17+$0x20 ss:$0x1], $0xffff;
	s19 =	sand.u32 $0x1C00, s19;
	s28 =	sand.u32 $0x300, s27;
	s18 =	sand.u32 $0x1800, s26;
	[tilespmem:v0+s17+$0xFFFFFFA0 ss:$0x1] =	vst.idx.msk $0xffff, v58  }
0x4c: {  	s15 =	sand.u32 $0x80, s27;
	s14 =	sadd.s32 s2, s14;
	s18 =	sadd.s32 s18, s19;
	[tilespmem:v0+s17+$0xFFFFFFB0 ss:$0x1] =	vst.idx.msk $0xffff, v59  }
.Ltmp4:
0x4d: {  	s15 =	sor.u32 s15, s29;
	[tilespmem:v0+s17+$0xFFFFFFC0 ss:$0x1] =	vst.idx.msk $0xffff, v60;
	s18 =	sor.u32 s28, s18;
	(pc) =	sbr.rel .LBB1_5-.Ltmp4, $4  }
0x4e: {  	s13 =	sadd.s32 s13, s14;
	s15 =	sshrl.u32 s15, $0x3;
	[tilespmem:v0+s17+$0xFFFFFFD0 ss:$0x1] =	vst.idx.msk $0xffff, v61;
	s18 =	sshrl.u32 s18, $0x3  }
0x4f: {  	s12 =	sshll.u32 s30, $0x12;
	s13 =	sadd.s32 s15, s13;
	[tilespmem:v0+s17+$0xFFFFFFE0 ss:$0x1] =	vst.idx.msk $0xffff, v62;
	s31 =	sand.u32 $0x3E0, s18  }
0x50: {  	s12 =	sor.u32 $0x80, s12;
	[tilespmem:v0+s17+$0xFFFFFFF0 ss:$0x1] =	vst.idx.msk $0xffff, v63;
	s13 =	sadd.s32 s31, s13  }
0x51: {  	[hbm4b:s13+s12] =	stream.strided.scatter [tilespmem:s16], [sflag:$0x2], $0x4000, s6, s12, $0x38;
	[tilespmem:$0x10000] =	vst v63  }
.LBB1_6:
0x52: {  	_ =	sfence.sel $0x180000  }
0x53: {  	s2 =	simm.s32 $0x1;
	[bflag:$0x0] =	sbarrier.arrive $0xFFFF  }
0x54: {  	s31 =	simm.s32 $0x2;
	[sflag:s2] =	ssyncpa.u1 $0x1  }
0x55: {  	[sflag:s31] =	ssyncpa.u1 $0x1  }
0x56: {  	p0 =	sne.s32 s1, $0x0;
	_ =	strace $0x9000004A  }
0x57: {  	s0 =	sadd.s32 @!p0 $0x100000, s0;
	[bflag:$0x2] =	sbarrier.arrive $0xFFFF  }
0x58: {  	[sflag:s0] =	ssyncadd.tile.s32 @!p0 $0x1;
	_ =	shalt  }
.Lfunc_end1:
_tile_overlayer_lowered:
.L_overlay_start_2:
0x59: {  	(tag) =	ssettag $0x2  }
0x5a: {  	s0 =	rddreg [dreg:$0x0];
	s2 =	stileid.u32  }
0x5b: {  	s1 =	rddreg [dreg:$0x1];
	p0 =	sne.s32 s2, $0x0  }
0x5c: {  	s3 =	rddreg [dreg:$0x2];
	[bflag:$0x3] =	sbarrier.arrive $0xFFFF;
	s2 =	simm.s32 @!p0 $0x1C01  }
0x5d: {  	[timem:s3], [sflag:s2] =	dma.local @!p0 [hbm:s0], s1  }
0x5e: {  	s0 =	simm.s32 @!p0 $0x1  }
0x5f: {  	_ =	swait.ge @!p0 [sflag:s0], s1  }
0x60: {  	s1 =	ssub.s32 @!p0 $0x0, s1;
	[sflag:s0] =	ssyncset.done @!p0 $0x0  }
0x61: {  	[sflag:s0] =	ssyncadd.s32 @!p0 s1  }
0x62: {  	[bflag:$0x3] =	sbarrier.arrive $0xFFFF  }
0x63: {  	_ =	shalt  }

// kernel: sparse-core-data-format-call.cloned.1.call-start
scs
called_computation_lowered:
.L_overlay_start_0:
0x0: {  	s2 =	sld [smem:$0x3FD9]  }
0x1: {  	s3 =	sld [smem:$0x3FFE];
	_ =	sdelay $0x1  }
0x2: {  	s1 =	srdreg.scid  }
0x3: {  	s0 =	sand.u32 $0x1, s1  }
0x4: {  	s15 =	sshll.u32 s0, $0xA;
	s2 =	sadd.s32 s3, s2  }
0x5: {  	s2 =	sadd.s32 s2, s15  }
0x6: {  	[smem:$0x3FBD] =	sst s2  }
0x7: {  	_ = 	snop  }
0x8: {  	s2 =	sld [smem:$0x3FD0];
	_ =	sdelay $0x2  }
0x9: {  	s16 =	simm.s32 $0xB;
	s4 =	simm.s32 $0x10  }
0xa: {  	[smem:s4], [sflag:s16] =	dma.local [hbm:s2], $0x1  }
0xb: {  	_ =	swait.eq [sflag:s16], $0x1  }
0xc: {  	[sflag:s16] =	ssyncset.done $0x0  }
0xd: {  	[sflag:s16] =	ssyncadd.s32 $0xFFFFFFFF  }
0xe: {  	s17 =	sld [smem:$0x12];
	(tm) =	ssettm $0x1  }
0xf: {  	s18 =	sld [smem:$0x3FFB];
	_ =	sdelay $0x3  }
0x10: {  	_ =	strace s18  }
0x11: {  	s3 =	sld [smem:$0x3FFC];
	_ =	sdelay $0x3  }
0x12: {  	_ =	strace s3  }
0x13: {  	s3 =	sld [smem:$0x3FFD];
	_ =	sdelay $0x3  }
0x14: {  	_ =	strace s3  }
0x15: {  	_ =	strace $0x8FFFFFFF  }
0x16: {  	s19 =	sld [smem:$0x3FDB];
	_ =	sdelay $0x1  }
0x17: {  	s20 =	simm.s32 $_scs_section_size  }
0x18: {  	s5 =	simm.s32 $_size__tile_overlayer_lowered;
	s6 =	simm.s32 $_tile_overlayer_lowered  }
0x19: {  	s23 =	simm.s32 $0x1BFF;
	s22 =	sshll.u32 s6, $0x1;
	s3 =	sadd.s32 s20, s19  }
0x1a: {  	s7 =	simm.s32 $0x0;
	s21 =	sshll.u32 s5, $0x1;
	s5 =	sadd.s32 s22, s3  }
0x1b: {  	[timem:s7], [sflag:s23] =	dma.local [hbm:s5], s21  }
0x1c: {  	_ =	swait.ge [sflag:s23], s21  }
0x1d: {  	s4 =	ssub.s32 $0x0, s21;
	[sflag:s23] =	ssyncset.done $0x0  }
0x1e: {  	[sflag:s23] =	ssyncadd.s32 s4;
	_ =	sdelay $0x1  }
0x1f: {  	s24 =	simm.s32 $0x1B8B  }
0x20: {  	_ =	swait.ge [sflag:s24], $0x1  }
0x21: {  	[sflag:s24] =	ssyncset.done $0x0  }
0x22: {  	s26 =	simm.s32 $0x1B8E;
	s25 =	sld [smem:$0x3FFE];
	[sflag:s24] =	ssyncadd.s32 $0xFFFFFFFF  }
0x23: {  	s27 =	simm.s32 $execute0_lowered;
	[smem:$0x3FD2] =	sst s26  }
0x24: {  	s5 =	sshll.u32 s27, $0x1;
	_ =	strace $0x80000046;
	[dreg:$0x1] =	wrdreg $0xFFFFFFFF  }
0x25: {  	s28 =	simm.s32 $_size_execute0_lowered;
	s3 =	sadd.s32 s3, s5;
	[dreg:$0x0] =	wrdreg $0x0  }
0x26: {  	s5 =	sshll.u32 s28, $0x1;
	[dreg:$0x2] =	wrdreg s3  }
0x27: {  	[dreg:$0x3] =	wrdreg s5  }
0x28: {  	[dreg:$0x4] =	wrdreg $0xC0  }
0x29: {  	_ =	task [dreg:s7], $0x5FFFF  }
0x2a: {  	[dreg:$0x1] =	wrdreg $0xFFFFFFFF  }
0x2b: {  	[dreg:$0x0] =	wrdreg $0x60  }
0x2c: {  	[dreg:$0x2] =	wrdreg s25  }
0x2d: {  	[dreg:$0x3] =	wrdreg s17  }
0x2e: {  	[dreg:$0x4] =	wrdreg $0x9  }
0x2f: {  	_ =	task.clear_ibuf [dreg:s7], $0x5FFFF;
	_ =	strace $0x90000046  }
0x30: {  	s29 =	simm.s32 $0x9;
	_ =	strace $0x80000048  }
0x31: {  	_ =	swait.ge [sflag:s29], $0x1  }
0x32: {  	[sflag:s29] =	ssyncadd.s32 $0xFFFFFFFF  }
0x33: {  	_ =	strace $0x90000048  }
0x34: {  	_ =	sfence  }
0x35: {  	s30 =	sld [smem:$0x0];
	_ =	sdelay $0x2  }
0x36: {  	s31 =	sshll.u32 s1, $0xD;
	s1 =	sshrl.u32 s1, $0x2  }
0x37: {  	s3 =	sand.u32 $0x4000, s31;
	s1 =	sadd.s32 s1, s30  }
0x38: {  	s0 =	sor.u32 s3, s0;
	s1 =	sshll.u32 s1, $0x11  }
0x39: {  	s0 =	sor.u32 s1, s0  }
0x3a: {  	s0 =	sadd.s32 $0x8F2B, s0  }
0x3b: {  	[sflag:s0] =	ssyncadd.remote.s32 $0x1  }
0x3c: {  	_ =	sfence.sel $0xFFFF  }
0x3d: {  	[dreg:$0x0] =	wrdreg $0xFFFFFFFF;
	(pc) =	sbr.abs _section_cstart, $3  }
0x3e: {  	[dreg:$0x1] =	wrdreg $0xFFFFFFFF  }
0x3f: {  	_ =	task.clear_ibuf [dreg:s7], $0x2FFFF;
	_ =	strace $0x9FFFFFFF  }
0x40: {  	(tm) =	ssettm $0x7FFFFFFF  }
0x41: {  	_ =	shalt  }
tec
execute0_lowered:
.L_overlay_start_1:
0x0: {  	(tag) =	ssettag $0x1  }
0x1: {  	s1 =	rddreg [dreg:$0x0]  }
0x2: {  	s2 =	rddreg [dreg:$0x1]  }
0x3: {  	s0 =	rddreg [dreg:$0x2];
	_ =	strace $0x80000047;
	s4 =	srdreg.scid  }
0x4: {  	s6 =	simm.s32 $0x2;
	s12 =	simm.s32 $0x0;
	p0 =	por $0x0, $0x0  }
0x5: {  	s13 =	simm.s32 $0x0;
	s14 =	simm.s32 $0x0;
	s15 =	simm.s32 $0x0  }
.Ltmp0:
0x6: {  	s8 =	simm.s32 $0x0;
	s9 =	simm.s32 $0x0;
	(pc) =	sbr.rel .LBB1_1-.Ltmp0, $4  }
0x7: {  	s10 =	simm.s32 $0x0;
	s3 =	sadd.s32 $0x2200, s1;
	s5 =	sshll.u32 s4, $0x4  }
0x8: {  	s1 =	stileid.u32;
	s4 =	simm.s32 $0x1;
	s5 =	sand.u32 $0x10, s5  }
0x9: {  	s7 =	simm.s32 $0x0;
	[sflag:s4] =	ssyncpa.u1 $0x0;
	s5 =	sor.u32 s1, s5  }
0xa: {  	[sflag:s6] =	ssyncpa.u1 $0x0;
	s6 =	simm.s32 $0x42000;
	s11 =	smov.u32 s5  }
.LBB1_5:
0xb: {  	s16 =	sadd.s32 $0x80, s8  }
0xc: {  	s12 =	sadd.s32 $0x80, s9;
	s17 =	smov.u32 s9;
	p2 =	sgt.s32 s16, $0xFF  }
0xd: {  	s17 =	smov.u32 @p2 s12  }
0xe: {  	s12 =	simm.s32 $0x1;
	p3 =	sgt.s32 s17, $0xFF  }
0xf: {  	s12 =	simm.s32 @!p3 $0x0  }
0x10: {  	s18 =	sadd.s32 s12, s10  }
0x11: {  	s19 =	smov.u32 s11;
	s12 =	sadd.s32 $0x20, s11;
	p4 =	sgt.s32 s18, $0x20  }
0x12: {  	p1 =	slt.u32 s7, $0x2;
	s19 =	smov.u32 @p4 s12  }
0x13: {  	s7 =	sadd.s32 $0x1, s7;
	s16 =	simm.s32 @p2 $0x0;
	p2 =	sgt.s32 s19, $0x1F  }
0x14: {  	s20 =	simm.s32 @!p1 $0x2;
	s19 =	smov.u32 @p2 s5;
	p2 =	sne.s32 s7, $0x86  }
.Ltmp1:
0x15: {  	s13 =	smov.u32 s9;
	_ =	swait.ge @!p1 [sflag:s20], $0x4000;
	(pc) =	sbr.rel @!p2 .LBB1_6-.Ltmp1, $4  }
0x16: {  	s14 =	smov.u32 s10;
	s15 =	smov.u32 s11;
	[sflag:s20] =	ssyncset.done @!p1 $0x0  }
0x17: {  	p0 =	por !p0, !p0;
	s17 =	simm.s32 @p3 $0x0;
	[sflag:s20] =	ssyncadd.s32 @!p1 $0xFFFFC000  }
0x18: {  	s9 =	smov.u32 s17;
	s18 =	simm.s32 @p4 $0x0;
	s12 =	smov.u32 s8  }
0x19: {  	s8 =	smov.u32 s16;
	s10 =	smov.u32 s18;
	s11 =	smov.u32 s19  }
.LBB1_1:
0x1a: {  	p1 =	sgt.u32 s7, $0x83  }
0x1b: {  	s16 =	sxor.u32 @!p1 $0xFFFFFFFF, s7;
	s17 =	sshll.u32 @!p1 s9, $0x8;
	s18 =	sshll.u32 @!p1 s8, $0x3  }
0x1c: {  	s19 =	sand.u32 @!p1 $0x78, s8;
	s17 =	sand.u32 @!p1 $0xF800, s17;
	s18 =	sand.u32 @!p1 $0xFC00, s18  }
0x1d: {  	s21 =	smul.u32 @!p1 $0x42000, s11;
	s17 =	sadd.s32 @!p1 s17, s18;
	s18 =	sshll.u32 @!p1 s9, $0x7  }
0x1e: {  	s16 =	sshll.u32 @!p1 s16, $0xE;
	s20 =	sand.u32 @!p1 $0x300, s18;
	s18 =	sand.u32 @!p1 $0x80, s18  }
0x1f: {  	s16 =	sand.u32 @!p1 $0x4000, s16;
	s17 =	sor.u32 @!p1 s20, s17;
	s18 =	sor.u32 @!p1 s19, s18  }
0x20: {  	s19 =	sshll.u32 @!p1 s10, $0xD;
	s20 =	sadd.s32 @!p1 s3, s21;
	s17 =	sshrl.u32 @!p1 s17, $0x3  }
0x21: {  	s18 =	sshrl.u32 @!p1 s18, $0x3;
	s19 =	sadd.s32 @!p1 s19, s20;
	s20 =	sand.u32 @!p1 $0x7, s8  }
0x22: {  	s17 =	sand.u32 @!p1 $0x1FE0, s17;
	s18 =	sadd.s32 @!p1 s18, s19;
	s19 =	sshll.u32 @!p1 s20, $0x12  }
0x23: {  	s17 =	sadd.s32 @!p1 s17, s18;
	s18 =	sor.u32 @!p1 $0x400, s19;
	s19 =	simm.s32 @!p1 $0x800  }
0x24: {  	[tilespmem:s16], [sflag:$0x1] =	stream.strided.gather @!p1 [hbm4b:s17+s18], $0x4000, s19, s18, $0x38;
	[tilespmem:$0x10000] =	vst v63  }
0x25: {  	p1 =	seq.s32 s7, $0x0  }
0x26: {  	p2 =	seq.s32 @!p1 s7, $0x85  }
0x27: {  	p1 =	por p1, p2  }
.Ltmp2:
0x28: {  	_ = 	snop;
	(pc) =	sbr.rel @p1 .LBB1_5-.Ltmp2, $1  }
0x29: {  	_ =	sdelay $0x3  }
0x2a: {  	s16 =	simm.s32 $0x1  }
0x2b: {  	s16 =	simm.s32 @!p0 $0x0  }
0x2c: {  	s16 =	sshll.u32 s16, $0xE  }
0x2d: {  	s17 =	sor.u32 $0x40, s16  }
0x2e: {  	v1 =	vmov s17;
	_ =	sdelay $0x1  }
0x2f: {  	_ =	swait.ge [sflag:s4], $0x4000  }
0x30: {  	[sflag:s4] =	ssyncset.done $0x0  }
0x31: {  	s18 =	simm.s32 $0x0;
	[sflag:s4] =	ssyncadd.s32 $0xFFFFC000  }
0x32: {  	s16 =	sor.u32 $0x8070, s16;
	v7 =	vld.idx.msk [tilespmem:v1+s18+$0x30 ss:$0x1], $0xffff  }
0x33: {  	v0 =	vmov s16;
	v8 =	vld.idx.msk [tilespmem:v1+s18+$0xFFFFFFC0 ss:$0x1], $0xffff  }
0x34: {  	v6 =	vld.idx.msk [tilespmem:v1+s18+$0xFFFFFFD0 ss:$0x1], $0xffff  }
0x35: {  	v4 =	vld.idx.msk [tilespmem:v1+s18+$0xFFFFFFE0 ss:$0x1], $0xffff  }
0x36: {  	v2 =	vld.idx.msk [tilespmem:v1+s18+$0xFFFFFFF0 ss:$0x1], $0xffff  }
0x37: {  	s31 =	sshll.u32 s7, $0xE;
	v3 =	vld.idx.msk [tilespmem:v1+s18+$0x0 ss:$0x1], $0xffff  }
0x38: {  	s16 =	sand.u32 $0x4000, s31;
	v5 =	vld.idx.msk [tilespmem:v1+s18+$0x10 ss:$0x1], $0xffff;
	[tilespmem:v0+s18+$0x0 ss:$0x1] =	vst.idx.msk $0xffff, v7  }
0x39: {  	s19 =	simm.s32 $0x400;
	s17 =	simm.s32 $0x80;
	s16 =	sor.u32 $0x8000, s16;
	[tilespmem:v0+s18+$0xFFFFFF90 ss:$0x1] =	vst.idx.msk $0xffff, v8;
	v7 =	vld.idx.msk [tilespmem:v1+s18+$0x20 ss:$0x1], $0xffff  }
.LBB1_3:
0x3a: {  	p1 =	sne.s32 s19, $0xFE00;
	v8 =	vld.idx.msk [tilespmem:v1+s17+$0x30 ss:$0x1], $0xffff;
	[tilespmem:v0+s18+$0xFFFFFFA0 ss:$0x1] =	vst.idx.msk $0xffff, v6  }
0x3b: {  	v9 =	vld.idx.msk [tilespmem:v1+s17+$0xFFFFFFC0 ss:$0x1], $0xffff;
	[tilespmem:v0+s18+$0xFFFFFFB0 ss:$0x1] =	vst.idx.msk $0xffff, v4  }
0x3c: {  	v6 =	vld.idx.msk [tilespmem:v1+s17+$0xFFFFFFD0 ss:$0x1], $0xffff;
	[tilespmem:v0+s18+$0xFFFFFFC0 ss:$0x1] =	vst.idx.msk $0xffff, v2  }
.Ltmp3:
0x3d: {  	v4 =	vld.idx.msk [tilespmem:v1+s17+$0xFFFFFFE0 ss:$0x1], $0xffff;
	[tilespmem:v0+s18+$0xFFFFFFD0 ss:$0x1] =	vst.idx.msk $0xffff, v3;
	(pc) =	sbr.rel @p1 .LBB1_3-.Ltmp3, $4  }
0x3e: {  	v2 =	vld.idx.msk [tilespmem:v1+s17+$0xFFFFFFF0 ss:$0x1], $0xffff;
	[tilespmem:v0+s18+$0xFFFFFFE0 ss:$0x1] =	vst.idx.msk $0xffff, v5  }
0x3f: {  	v3 =	vld.idx.msk [tilespmem:v1+s17+$0x0 ss:$0x1], $0xffff;
	[tilespmem:v0+s18+$0xFFFFFFF0 ss:$0x1] =	vst.idx.msk $0xffff, v7;
	s18 =	smov.u32 s17  }
0x40: {  	v5 =	vld.idx.msk [tilespmem:v1+s18+$0x10 ss:$0x1], $0xffff;
	[tilespmem:v0+s18+$0x0 ss:$0x1] =	vst.idx.msk $0xffff, v8  }
0x41: {  	s17 =	sshra.s32 s19, $0x2;
	s19 =	sadd.s32 $0x200, s19;
	[tilespmem:v0+s18+$0xFFFFFF90 ss:$0x1] =	vst.idx.msk $0xffff, v9;
	v7 =	vld.idx.msk [tilespmem:v1+s18+$0x20 ss:$0x1], $0xffff  }
0x42: {  	_ =	sdelay $0x3  }
0x43: {  	[tilespmem:v0+s18+$0xFFFFFFA0 ss:$0x1] =	vst.idx.msk $0xffff, v6  }
0x44: {  	v56 =	vld.idx.msk [tilespmem:v1+s17+$0x30 ss:$0x1], $0xffff;
	[tilespmem:v0+s18+$0xFFFFFFB0 ss:$0x1] =	vst.idx.msk $0xffff, v4  }
0x45: {  	v57 =	vld.idx.msk [tilespmem:v1+s17+$0xFFFFFFC0 ss:$0x1], $0xffff;
	[tilespmem:v0+s18+$0xFFFFFFC0 ss:$0x1] =	vst.idx.msk $0xffff, v2  }
0x46: {  	v58 =	vld.idx.msk [tilespmem:v1+s17+$0xFFFFFFD0 ss:$0x1], $0xffff;
	[tilespmem:v0+s18+$0xFFFFFFD0 ss:$0x1] =	vst.idx.msk $0xffff, v3  }
0x47: {  	v59 =	vld.idx.msk [tilespmem:v1+s17+$0xFFFFFFE0 ss:$0x1], $0xffff;
	[tilespmem:v0+s18+$0xFFFFFFE0 ss:$0x1] =	vst.idx.msk $0xffff, v5  }
0x48: {  	v60 =	vld.idx.msk [tilespmem:v1+s17+$0xFFFFFFF0 ss:$0x1], $0xffff;
	s26 =	sshll.u32 s15, $0x8;
	[tilespmem:v0+s18+$0xFFFFFFF0 ss:$0x1] =	vst.idx.msk $0xffff, v7  }
0x49: {  	s19 =	sshll.u32 s12, $0x3;
	v61 =	vld.idx.msk [tilespmem:v1+s17+$0x0 ss:$0x1], $0xffff;
	s27 =	sshll.u32 s15, $0x7;
	s29 =	sand.u32 $0x78, s12;
	[tilespmem:v0+s17+$0x0 ss:$0x1] =	vst.idx.msk $0xffff, v56  }
0x4a: {  	v62 =	vld.idx.msk [tilespmem:v1+s17+$0x10 ss:$0x1], $0xffff;
	s13 =	smul.u32 $0x8400, s13;
	s14 =	sshll.u32 s14, $0xA;
	s30 =	sand.u32 $0x7, s12;
	[tilespmem:v0+s17+$0xFFFFFF90 ss:$0x1] =	vst.idx.msk $0xffff, v57  }
0x4b: {  	v63 =	vld.idx.msk [tilespmem:v1+s17+$0x20 ss:$0x1], $0xffff;
	s19 =	sand.u32 $0x1C00, s19;
	s28 =	sand.u32 $0x300, s27;
	s18 =	sand.u32 $0x1800, s26;
	[tilespmem:v0+s17+$0xFFFFFFA0 ss:$0x1] =	vst.idx.msk $0xffff, v58  }
0x4c: {  	s15 =	sand.u32 $0x80, s27;
	s14 =	sadd.s32 s2, s14;
	s18 =	sadd.s32 s18, s19;
	[tilespmem:v0+s17+$0xFFFFFFB0 ss:$0x1] =	vst.idx.msk $0xffff, v59  }
.Ltmp4:
0x4d: {  	s15 =	sor.u32 s15, s29;
	[tilespmem:v0+s17+$0xFFFFFFC0 ss:$0x1] =	vst.idx.msk $0xffff, v60;
	s18 =	sor.u32 s28, s18;
	(pc) =	sbr.rel .LBB1_5-.Ltmp4, $4  }
0x4e: {  	s13 =	sadd.s32 s13, s14;
	s15 =	sshrl.u32 s15, $0x3;
	[tilespmem:v0+s17+$0xFFFFFFD0 ss:$0x1] =	vst.idx.msk $0xffff, v61;
	s18 =	sshrl.u32 s18, $0x3  }
0x4f: {  	s12 =	sshll.u32 s30, $0x12;
	s13 =	sadd.s32 s15, s13;
	[tilespmem:v0+s17+$0xFFFFFFE0 ss:$0x1] =	vst.idx.msk $0xffff, v62;
	s31 =	sand.u32 $0x3E0, s18  }
0x50: {  	s12 =	sor.u32 $0x80, s12;
	[tilespmem:v0+s17+$0xFFFFFFF0 ss:$0x1] =	vst.idx.msk $0xffff, v63;
	s13 =	sadd.s32 s31, s13  }
0x51: {  	[hbm4b:s13+s12] =	stream.strided.scatter [tilespmem:s16], [sflag:$0x2], $0x4000, s6, s12, $0x38;
	[tilespmem:$0x10000] =	vst v63  }
.LBB1_6:
0x52: {  	_ =	sfence.sel $0x180000  }
0x53: {  	s2 =	simm.s32 $0x1;
	[bflag:$0x0] =	sbarrier.arrive $0xFFFF  }
0x54: {  	s31 =	simm.s32 $0x2;
	[sflag:s2] =	ssyncpa.u1 $0x1  }
0x55: {  	[sflag:s31] =	ssyncpa.u1 $0x1  }
0x56: {  	p0 =	sne.s32 s1, $0x0;
	_ =	strace $0x90000047  }
0x57: {  	s0 =	sadd.s32 @!p0 $0x100000, s0;
	[bflag:$0x2] =	sbarrier.arrive $0xFFFF  }
0x58: {  	[sflag:s0] =	ssyncadd.tile.s32 @!p0 $0x1;
	_ =	shalt  }
.Lfunc_end1:
_tile_overlayer_lowered:
.L_overlay_start_2:
0x59: {  	(tag) =	ssettag $0x2  }
0x5a: {  	s0 =	rddreg [dreg:$0x0];
	s2 =	stileid.u32  }
0x5b: {  	s1 =	rddreg [dreg:$0x1];
	p0 =	sne.s32 s2, $0x0  }
0x5c: {  	s3 =	rddreg [dreg:$0x2];
	[bflag:$0x3] =	sbarrier.arrive $0xFFFF;
	s2 =	simm.s32 @!p0 $0x1C01  }
0x5d: {  	[timem:s3], [sflag:s2] =	dma.local @!p0 [hbm:s0], s1  }
0x5e: {  	s0 =	simm.s32 @!p0 $0x1  }
0x5f: {  	_ =	swait.ge @!p0 [sflag:s0], s1  }
0x60: {  	s1 =	ssub.s32 @!p0 $0x0, s1;
	[sflag:s0] =	ssyncset.done @!p0 $0x0  }
0x61: {  	[sflag:s0] =	ssyncadd.s32 @!p0 s1  }
0x62: {  	[bflag:$0x3] =	sbarrier.arrive $0xFFFF  }
0x63: {  	_ =	shalt  }

</sc_bundles>
